<compile_context>
chip_gen: v7x
topology: tpu7x:2x2x1
jax: 0.10.2.dev20260603
libtpu: 0.0.44.dev20260713+nightly
codegen_flags: <defaults>
</compile_context>

<pallas_src>
import functools

import jax
import jax.numpy as jnp
from jax import lax
from jax.experimental import pallas as pl
from jax.experimental.pallas import tpu as pltpu
from jax.experimental.pallas import tpu_sc as plsc

_D = 256
_ROWS = 32 * 1024
_NC = 2
_NS = 16
_NW = _NC * _NS
_RPW = _ROWS // _NW
_CH = 128
_NCH = _RPW // _CH


@functools.partial(
    pl.kernel,
    mesh=plsc.VectorSubcoreMesh(core_axis_name="c", subcore_axis_name="s"),
    out_type=jax.ShapeDtypeStruct((_ROWS, _D), jnp.float32),
    scratch_types=[
        pltpu.MemorySpace.VMEM_SHARED((_NS, _CH, _D), jnp.float32),
        pltpu.SemaphoreType.DMA((2,)),
    ],
)
def _sc_copy(x_hbm, o_hbm, buf, sems):
    sid = lax.axis_index("s")
    wid = sid * _NC + lax.axis_index("c")
    base = wid * _RPW
    for j in range(_NCH):
        pltpu.make_async_copy(
            x_hbm.at[pl.ds(base + j * _CH, _CH)], buf.at[sid], sems.at[0]).start()
        pltpu.make_async_copy(
            x_hbm.at[pl.ds(base + j * _CH, _CH)], buf.at[sid], sems.at[0]).wait()
        pltpu.make_async_copy(
            buf.at[sid], o_hbm.at[pl.ds(base + j * _CH, _CH)], sems.at[1]).start()
        pltpu.make_async_copy(
            buf.at[sid], o_hbm.at[pl.ds(base + j * _CH, _CH)], sems.at[1]).wait()


def kernel(x):
    return _sc_copy(x.reshape(-1, _D))

# --- scband reference (transcript-rebuilt; emitter-appended) ---
"""Pipeline reference for scband-vector-quantizer-ema-44040594653811 (READ-ONLY COPY).

The authoritative reference and input builder live on the scoring server;
editing this copy changes nothing except your own understanding.
"""

import jax, jax.numpy as jnp
import numpy as np

D = 256

def setup_inputs(seed: int = 0) -> dict:
    key = jax.random.key(seed)
    x = jax.random.normal(key, (32, 1024, 256), dtype=jnp.float32)
    return {"x": x}

def reference(x):
    # Faithful translation of VectorQuantizerEMA.forward: x.view(-1, D)
    out = x.reshape(-1, D)
    return out

if __name__ == "__main__":
    import jax
    _d = setup_inputs()
    print(jax.jit(kernel)(*tuple(_d.values())))

</pallas_src>

<mosaic_0001>
#map = affine_map<(d0, d1) -> (0, 0)>
module attributes {stable_mosaic.version = 14 : i64} {
  func.func @_sc_copy(%arg0: i32, %arg1: i32, %arg2: memref<32768x256xf32, #tpu.memory_space<hbm>>, %arg3: memref<32768x256xf32, #tpu.memory_space<hbm>>, %arg4: memref<16x128x256xf32, #tpu.memory_space<vmem_shared>>, %arg5: memref<2x!tpu.dma_semaphore, #tpu.memory_space<semaphore_mem>>) attributes {dimension_semantics = [#tpu.dimension_semantics<core_parallel>, #tpu.dimension_semantics<subcore_parallel>], iteration_bounds = array<i64: 2, 16>, scalar_prefetch = 0 : i64, scratch_operands = 2 : i64, tpu.core_type = #tpu.core_type<sc_vector_subcore>, window_params = [{transform_indices = #map}, {transform_indices = #map}]} {
    %mul3A = arith.constant 2 : i32
    %mul3A_0 = arith.muli %arg1, %mul3A : i32
    %add3A = arith.addi %mul3A_0, %arg0 : i32
    %mul3A_1 = arith.constant 1024 : i32
    %mul3A_2 = arith.muli %add3A, %mul3A_1 : i32
    %add3A_3 = arith.constant 0 : i32
    %add3A_4 = arith.addi %mul3A_2, %add3A_3 : i32
    %dma_start3A = arith.constant 0 : i32
    %dma_start3A_5 = tpu.memref_slice %arg5[%dma_start3A] : memref<2x!tpu.dma_semaphore, #tpu.memory_space<semaphore_mem>> -> memref<1x!tpu.dma_semaphore, #tpu.memory_space<semaphore_mem>>
    %dma_start3A_6 = tpu.memref_squeeze %dma_start3A_5 : memref<1x!tpu.dma_semaphore, #tpu.memory_space<semaphore_mem>> -> memref<!tpu.dma_semaphore, #tpu.memory_space<semaphore_mem>>
    %dma_start3A_7 = arith.constant 0 : i32
    %dma_start3A_8 = arith.constant 0 : i32
    %dma_start3A_9 = tpu.memref_slice %arg4[%arg1, %dma_start3A_7, %dma_start3A_8] : memref<16x128x256xf32, #tpu.memory_space<vmem_shared>> -> memref<1x128x256xf32, #tpu.memory_space<vmem_shared>>
    %dma_start3A_10 = tpu.memref_squeeze %dma_start3A_9 : memref<1x128x256xf32, #tpu.memory_space<vmem_shared>> -> memref<128x256xf32, #tpu.memory_space<vmem_shared>>
    %dma_start3A_11 = arith.constant 0 : i32
    %dma_start3A_12 = tpu.memref_slice %arg2[%add3A_4, %dma_start3A_11] : memref<32768x256xf32, #tpu.memory_space<hbm>> -> memref<128x256xf32, #tpu.memory_space<hbm>>
    tpu.enqueue_dma source(%dma_start3A_12 : memref<128x256xf32, #tpu.memory_space<hbm>>) target(%dma_start3A_10 : memref<128x256xf32, #tpu.memory_space<vmem_shared>>) target_semaphore(%dma_start3A_6 : memref<!tpu.dma_semaphore, #tpu.memory_space<semaphore_mem>>)
    %add3A_13 = arith.constant 0 : i32
    %add3A_14 = arith.addi %mul3A_2, %add3A_13 : i32
    %dma_wait3A = arith.constant 0 : i32
    %dma_wait3A_15 = tpu.memref_slice %arg5[%dma_wait3A] : memref<2x!tpu.dma_semaphore, #tpu.memory_space<semaphore_mem>> -> memref<1x!tpu.dma_semaphore, #tpu.memory_space<semaphore_mem>>
    %dma_wait3A_16 = tpu.memref_squeeze %dma_wait3A_15 : memref<1x!tpu.dma_semaphore, #tpu.memory_space<semaphore_mem>> -> memref<!tpu.dma_semaphore, #tpu.memory_space<semaphore_mem>>
    %dma_wait3A_17 = arith.constant 0 : i32
    %dma_wait3A_18 = arith.constant 0 : i32
    %dma_wait3A_19 = tpu.memref_slice %arg4[%arg1, %dma_wait3A_17, %dma_wait3A_18] : memref<16x128x256xf32, #tpu.memory_space<vmem_shared>> -> memref<1x128x256xf32, #tpu.memory_space<vmem_shared>>
    %dma_wait3A_20 = tpu.memref_squeeze %dma_wait3A_19 : memref<1x128x256xf32, #tpu.memory_space<vmem_shared>> -> memref<128x256xf32, #tpu.memory_space<vmem_shared>>
    %dma_wait3A_21 = arith.constant 0 : i32
    %dma_wait3A_22 = tpu.memref_slice %arg2[%add3A_14, %dma_wait3A_21] : memref<32768x256xf32, #tpu.memory_space<hbm>> -> memref<128x256xf32, #tpu.memory_space<hbm>>
    tpu.wait_dma2 semaphore(%dma_wait3A_16 : memref<!tpu.dma_semaphore, #tpu.memory_space<semaphore_mem>>) src(%dma_wait3A_22 : memref<128x256xf32, #tpu.memory_space<hbm>>) dst(%dma_wait3A_20 : memref<128x256xf32, #tpu.memory_space<vmem_shared>>)
    %add3A_23 = arith.constant 0 : i32
    %add3A_24 = arith.addi %mul3A_2, %add3A_23 : i32
    %dma_start3A_25 = arith.constant 1 : i32
    %dma_start3A_26 = tpu.memref_slice %arg5[%dma_start3A_25] : memref<2x!tpu.dma_semaphore, #tpu.memory_space<semaphore_mem>> -> memref<1x!tpu.dma_semaphore, #tpu.memory_space<semaphore_mem>>
    %dma_start3A_27 = tpu.memref_squeeze %dma_start3A_26 : memref<1x!tpu.dma_semaphore, #tpu.memory_space<semaphore_mem>> -> memref<!tpu.dma_semaphore, #tpu.memory_space<semaphore_mem>>
    %dma_start3A_28 = arith.constant 0 : i32
    %dma_start3A_29 = tpu.memref_slice %arg3[%add3A_24, %dma_start3A_28] : memref<32768x256xf32, #tpu.memory_space<hbm>> -> memref<128x256xf32, #tpu.memory_space<hbm>>
    %dma_start3A_30 = arith.constant 0 : i32
    %dma_start3A_31 = arith.constant 0 : i32
    %dma_start3A_32 = tpu.memref_slice %arg4[%arg1, %dma_start3A_30, %dma_start3A_31] : memref<16x128x256xf32, #tpu.memory_space<vmem_shared>> -> memref<1x128x256xf32, #tpu.memory_space<vmem_shared>>
    %dma_start3A_33 = tpu.memref_squeeze %dma_start3A_32 : memref<1x128x256xf32, #tpu.memory_space<vmem_shared>> -> memref<128x256xf32, #tpu.memory_space<vmem_shared>>
    tpu.enqueue_dma source(%dma_start3A_33 : memref<128x256xf32, #tpu.memory_space<vmem_shared>>) target(%dma_start3A_29 : memref<128x256xf32, #tpu.memory_space<hbm>>) target_semaphore(%dma_start3A_27 : memref<!tpu.dma_semaphore, #tpu.memory_space<semaphore_mem>>)
    %add3A_34 = arith.constant 0 : i32
    %add3A_35 = arith.addi %mul3A_2, %add3A_34 : i32
    %dma_wait3A_36 = arith.constant 1 : i32
    %dma_wait3A_37 = tpu.memref_slice %arg5[%dma_wait3A_36] : memref<2x!tpu.dma_semaphore, #tpu.memory_space<semaphore_mem>> -> memref<1x!tpu.dma_semaphore, #tpu.memory_space<semaphore_mem>>
    %dma_wait3A_38 = tpu.memref_squeeze %dma_wait3A_37 : memref<1x!tpu.dma_semaphore, #tpu.memory_space<semaphore_mem>> -> memref<!tpu.dma_semaphore, #tpu.memory_space<semaphore_mem>>
    %dma_wait3A_39 = arith.constant 0 : i32
    %dma_wait3A_40 = tpu.memref_slice %arg3[%add3A_35, %dma_wait3A_39] : memref<32768x256xf32, #tpu.memory_space<hbm>> -> memref<128x256xf32, #tpu.memory_space<hbm>>
    %dma_wait3A_41 = arith.constant 0 : i32
    %dma_wait3A_42 = arith.constant 0 : i32
    %dma_wait3A_43 = tpu.memref_slice %arg4[%arg1, %dma_wait3A_41, %dma_wait3A_42] : memref<16x128x256xf32, #tpu.memory_space<vmem_shared>> -> memref<1x128x256xf32, #tpu.memory_space<vmem_shared>>
    %dma_wait3A_44 = tpu.memref_squeeze %dma_wait3A_43 : memref<1x128x256xf32, #tpu.memory_space<vmem_shared>> -> memref<128x256xf32, #tpu.memory_space<vmem_shared>>
    tpu.wait_dma2 semaphore(%dma_wait3A_38 : memref<!tpu.dma_semaphore, #tpu.memory_space<semaphore_mem>>) src(%dma_wait3A_44 : memref<128x256xf32, #tpu.memory_space<vmem_shared>>) dst(%dma_wait3A_40 : memref<128x256xf32, #tpu.memory_space<hbm>>)
    %add3A_45 = arith.constant 128 : i32
    %add3A_46 = arith.addi %mul3A_2, %add3A_45 : i32
    %dma_start3A_47 = arith.constant 0 : i32
    %dma_start3A_48 = tpu.memref_slice %arg5[%dma_start3A_47] : memref<2x!tpu.dma_semaphore, #tpu.memory_space<semaphore_mem>> -> memref<1x!tpu.dma_semaphore, #tpu.memory_space<semaphore_mem>>
    %dma_start3A_49 = tpu.memref_squeeze %dma_start3A_48 : memref<1x!tpu.dma_semaphore, #tpu.memory_space<semaphore_mem>> -> memref<!tpu.dma_semaphore, #tpu.memory_space<semaphore_mem>>
    %dma_start3A_50 = arith.constant 0 : i32
    %dma_start3A_51 = arith.constant 0 : i32
    %dma_start3A_52 = tpu.memref_slice %arg4[%arg1, %dma_start3A_50, %dma_start3A_51] : memref<16x128x256xf32, #tpu.memory_space<vmem_shared>> -> memref<1x128x256xf32, #tpu.memory_space<vmem_shared>>
    %dma_start3A_53 = tpu.memref_squeeze %dma_start3A_52 : memref<1x128x256xf32, #tpu.memory_space<vmem_shared>> -> memref<128x256xf32, #tpu.memory_space<vmem_shared>>
    %dma_start3A_54 = arith.constant 0 : i32
    %dma_start3A_55 = tpu.memref_slice %arg2[%add3A_46, %dma_start3A_54] : memref<32768x256xf32, #tpu.memory_space<hbm>> -> memref<128x256xf32, #tpu.memory_space<hbm>>
    tpu.enqueue_dma source(%dma_start3A_55 : memref<128x256xf32, #tpu.memory_space<hbm>>) target(%dma_start3A_53 : memref<128x256xf32, #tpu.memory_space<vmem_shared>>) target_semaphore(%dma_start3A_49 : memref<!tpu.dma_semaphore, #tpu.memory_space<semaphore_mem>>)
    %add3A_56 = arith.constant 128 : i32
    %add3A_57 = arith.addi %mul3A_2, %add3A_56 : i32
    %dma_wait3A_58 = arith.constant 0 : i32
    %dma_wait3A_59 = tpu.memref_slice %arg5[%dma_wait3A_58] : memref<2x!tpu.dma_semaphore, #tpu.memory_space<semaphore_mem>> -> memref<1x!tpu.dma_semaphore, #tpu.memory_space<semaphore_mem>>
    %dma_wait3A_60 = tpu.memref_squeeze %dma_wait3A_59 : memref<1x!tpu.dma_semaphore, #tpu.memory_space<semaphore_mem>> -> memref<!tpu.dma_semaphore, #tpu.memory_space<semaphore_mem>>
    %dma_wait3A_61 = arith.constant 0 : i32
    %dma_wait3A_62 = arith.constant 0 : i32
    %dma_wait3A_63 = tpu.memref_slice %arg4[%arg1, %dma_wait3A_61, %dma_wait3A_62] : memref<16x128x256xf32, #tpu.memory_space<vmem_shared>> -> memref<1x128x256xf32, #tpu.memory_space<vmem_shared>>
    %dma_wait3A_64 = tpu.memref_squeeze %dma_wait3A_63 : memref<1x128x256xf32, #tpu.memory_space<vmem_shared>> -> memref<128x256xf32, #tpu.memory_space<vmem_shared>>
    %dma_wait3A_65 = arith.constant 0 : i32
    %dma_wait3A_66 = tpu.memref_slice %arg2[%add3A_57, %dma_wait3A_65] : memref<32768x256xf32, #tpu.memory_space<hbm>> -> memref<128x256xf32, #tpu.memory_space<hbm>>
    tpu.wait_dma2 semaphore(%dma_wait3A_60 : memref<!tpu.dma_semaphore, #tpu.memory_space<semaphore_mem>>) src(%dma_wait3A_66 : memref<128x256xf32, #tpu.memory_space<hbm>>) dst(%dma_wait3A_64 : memref<128x256xf32, #tpu.memory_space<vmem_shared>>)
    %add3A_67 = arith.constant 128 : i32
    %add3A_68 = arith.addi %mul3A_2, %add3A_67 : i32
    %dma_start3A_69 = arith.constant 1 : i32
    %dma_start3A_70 = tpu.memref_slice %arg5[%dma_start3A_69] : memref<2x!tpu.dma_semaphore, #tpu.memory_space<semaphore_mem>> -> memref<1x!tpu.dma_semaphore, #tpu.memory_space<semaphore_mem>>
    %dma_start3A_71 = tpu.memref_squeeze %dma_start3A_70 : memref<1x!tpu.dma_semaphore, #tpu.memory_space<semaphore_mem>> -> memref<!tpu.dma_semaphore, #tpu.memory_space<semaphore_mem>>
    %dma_start3A_72 = arith.constant 0 : i32
    %dma_start3A_73 = tpu.memref_slice %arg3[%add3A_68, %dma_start3A_72] : memref<32768x256xf32, #tpu.memory_space<hbm>> -> memref<128x256xf32, #tpu.memory_space<hbm>>
    %dma_start3A_74 = arith.constant 0 : i32
    %dma_start3A_75 = arith.constant 0 : i32
    %dma_start3A_76 = tpu.memref_slice %arg4[%arg1, %dma_start3A_74, %dma_start3A_75] : memref<16x128x256xf32, #tpu.memory_space<vmem_shared>> -> memref<1x128x256xf32, #tpu.memory_space<vmem_shared>>
    %dma_start3A_77 = tpu.memref_squeeze %dma_start3A_76 : memref<1x128x256xf32, #tpu.memory_space<vmem_shared>> -> memref<128x256xf32, #tpu.memory_space<vmem_shared>>
    tpu.enqueue_dma source(%dma_start3A_77 : memref<128x256xf32, #tpu.memory_space<vmem_shared>>) target(%dma_start3A_73 : memref<128x256xf32, #tpu.memory_space<hbm>>) target_semaphore(%dma_start3A_71 : memref<!tpu.dma_semaphore, #tpu.memory_space<semaphore_mem>>)
    %add3A_78 = arith.constant 128 : i32
    %add3A_79 = arith.addi %mul3A_2, %add3A_78 : i32
    %dma_wait3A_80 = arith.constant 1 : i32
    %dma_wait3A_81 = tpu.memref_slice %arg5[%dma_wait3A_80] : memref<2x!tpu.dma_semaphore, #tpu.memory_space<semaphore_mem>> -> memref<1x!tpu.dma_semaphore, #tpu.memory_space<semaphore_mem>>
    %dma_wait3A_82 = tpu.memref_squeeze %dma_wait3A_81 : memref<1x!tpu.dma_semaphore, #tpu.memory_space<semaphore_mem>> -> memref<!tpu.dma_semaphore, #tpu.memory_space<semaphore_mem>>
    %dma_wait3A_83 = arith.constant 0 : i32
    %dma_wait3A_84 = tpu.memref_slice %arg3[%add3A_79, %dma_wait3A_83] : memref<32768x256xf32, #tpu.memory_space<hbm>> -> memref<128x256xf32, #tpu.memory_space<hbm>>
    %dma_wait3A_85 = arith.constant 0 : i32
    %dma_wait3A_86 = arith.constant 0 : i32
    %dma_wait3A_87 = tpu.memref_slice %arg4[%arg1, %dma_wait3A_85, %dma_wait3A_86] : memref<16x128x256xf32, #tpu.memory_space<vmem_shared>> -> memref<1x128x256xf32, #tpu.memory_space<vmem_shared>>
    %dma_wait3A_88 = tpu.memref_squeeze %dma_wait3A_87 : memref<1x128x256xf32, #tpu.memory_space<vmem_shared>> -> memref<128x256xf32, #tpu.memory_space<vmem_shared>>
    tpu.wait_dma2 semaphore(%dma_wait3A_82 : memref<!tpu.dma_semaphore, #tpu.memory_space<semaphore_mem>>) src(%dma_wait3A_88 : memref<128x256xf32, #tpu.memory_space<vmem_shared>>) dst(%dma_wait3A_84 : memref<128x256xf32, #tpu.memory_space<hbm>>)
    %add3A_89 = arith.constant 256 : i32
    %add3A_90 = arith.addi %mul3A_2, %add3A_89 : i32
    %dma_start3A_91 = arith.constant 0 : i32
    %dma_start3A_92 = tpu.memref_slice %arg5[%dma_start3A_91] : memref<2x!tpu.dma_semaphore, #tpu.memory_space<semaphore_mem>> -> memref<1x!tpu.dma_semaphore, #tpu.memory_space<semaphore_mem>>
    %dma_start3A_93 = tpu.memref_squeeze %dma_start3A_92 : memref<1x!tpu.dma_semaphore, #tpu.memory_space<semaphore_mem>> -> memref<!tpu.dma_semaphore, #tpu.memory_space<semaphore_mem>>
    %dma_start3A_94 = arith.constant 0 : i32
    %dma_start3A_95 = arith.constant 0 : i32
    %dma_start3A_96 = tpu.memref_slice %arg4[%arg1, %dma_start3A_94, %dma_start3A_95] : memref<16x128x256xf32, #tpu.memory_space<vmem_shared>> -> memref<1x128x256xf32, #tpu.memory_space<vmem_shared>>
    %dma_start3A_97 = tpu.memref_squeeze %dma_start3A_96 : memref<1x128x256xf32, #tpu.memory_space<vmem_shared>> -> memref<128x256xf32, #tpu.memory_space<vmem_shared>>
    %dma_start3A_98 = arith.constant 0 : i32
    %dma_start3A_99 = tpu.memref_slice %arg2[%add3A_90, %dma_start3A_98] : memref<32768x256xf32, #tpu.memory_space<hbm>> -> memref<128x256xf32, #tpu.memory_space<hbm>>
    tpu.enqueue_dma source(%dma_start3A_99 : memref<128x256xf32, #tpu.memory_space<hbm>>) target(%dma_start3A_97 : memref<128x256xf32, #tpu.memory_space<vmem_shared>>) target_semaphore(%dma_start3A_93 : memref<!tpu.dma_semaphore, #tpu.memory_space<semaphore_mem>>)
    %add3A_100 = arith.constant 256 : i32
    %add3A_101 = arith.addi %mul3A_2, %add3A_100 : i32
    %dma_wait3A_102 = arith.constant 0 : i32
    %dma_wait3A_103 = tpu.memref_slice %arg5[%dma_wait3A_102] : memref<2x!tpu.dma_semaphore, #tpu.memory_space<semaphore_mem>> -> memref<1x!tpu.dma_semaphore, #tpu.memory_space<semaphore_mem>>
    %dma_wait3A_104 = tpu.memref_squeeze %dma_wait3A_103 : memref<1x!tpu.dma_semaphore, #tpu.memory_space<semaphore_mem>> -> memref<!tpu.dma_semaphore, #tpu.memory_space<semaphore_mem>>
    %dma_wait3A_105 = arith.constant 0 : i32
    %dma_wait3A_106 = arith.constant 0 : i32
    %dma_wait3A_107 = tpu.memref_slice %arg4[%arg1, %dma_wait3A_105, %dma_wait3A_106] : memref<16x128x256xf32, #tpu.memory_space<vmem_shared>> -> memref<1x128x256xf32, #tpu.memory_space<vmem_shared>>
    %dma_wait3A_108 = tpu.memref_squeeze %dma_wait3A_107 : memref<1x128x256xf32, #tpu.memory_space<vmem_shared>> -> memref<128x256xf32, #tpu.memory_space<vmem_shared>>
    %dma_wait3A_109 = arith.constant 0 : i32
    %dma_wait3A_110 = tpu.memref_slice %arg2[%add3A_101, %dma_wait3A_109] : memref<32768x256xf32, #tpu.memory_space<hbm>> -> memref<128x256xf32, #tpu.memory_space<hbm>>
    tpu.wait_dma2 semaphore(%dma_wait3A_104 : memref<!tpu.dma_semaphore, #tpu.memory_space<semaphore_mem>>) src(%dma_wait3A_110 : memref<128x256xf32, #tpu.memory_space<hbm>>) dst(%dma_wait3A_108 : memref<128x256xf32, #tpu.memory_space<vmem_shared>>)
    %add3A_111 = arith.constant 256 : i32
    %add3A_112 = arith.addi %mul3A_2, %add3A_111 : i32
    %dma_start3A_113 = arith.constant 1 : i32
    %dma_start3A_114 = tpu.memref_slice %arg5[%dma_start3A_113] : memref<2x!tpu.dma_semaphore, #tpu.memory_space<semaphore_mem>> -> memref<1x!tpu.dma_semaphore, #tpu.memory_space<semaphore_mem>>
    %dma_start3A_115 = tpu.memref_squeeze %dma_start3A_114 : memref<1x!tpu.dma_semaphore, #tpu.memory_space<semaphore_mem>> -> memref<!tpu.dma_semaphore, #tpu.memory_space<semaphore_mem>>
    %dma_start3A_116 = arith.constant 0 : i32
    %dma_start3A_117 = tpu.memref_slice %arg3[%add3A_112, %dma_start3A_116] : memref<32768x256xf32, #tpu.memory_space<hbm>> -> memref<128x256xf32, #tpu.memory_space<hbm>>
    %dma_start3A_118 = arith.constant 0 : i32
    %dma_start3A_119 = arith.constant 0 : i32
    %dma_start3A_120 = tpu.memref_slice %arg4[%arg1, %dma_start3A_118, %dma_start3A_119] : memref<16x128x256xf32, #tpu.memory_space<vmem_shared>> -> memref<1x128x256xf32, #tpu.memory_space<vmem_shared>>
    %dma_start3A_121 = tpu.memref_squeeze %dma_start3A_120 : memref<1x128x256xf32, #tpu.memory_space<vmem_shared>> -> memref<128x256xf32, #tpu.memory_space<vmem_shared>>
    tpu.enqueue_dma source(%dma_start3A_121 : memref<128x256xf32, #tpu.memory_space<vmem_shared>>) target(%dma_start3A_117 : memref<128x256xf32, #tpu.memory_space<hbm>>) target_semaphore(%dma_start3A_115 : memref<!tpu.dma_semaphore, #tpu.memory_space<semaphore_mem>>)
    %add3A_122 = arith.constant 256 : i32
    %add3A_123 = arith.addi %mul3A_2, %add3A_122 : i32
    %dma_wait3A_124 = arith.constant 1 : i32
    %dma_wait3A_125 = tpu.memref_slice %arg5[%dma_wait3A_124] : memref<2x!tpu.dma_semaphore, #tpu.memory_space<semaphore_mem>> -> memref<1x!tpu.dma_semaphore, #tpu.memory_space<semaphore_mem>>
    %dma_wait3A_126 = tpu.memref_squeeze %dma_wait3A_125 : memref<1x!tpu.dma_semaphore, #tpu.memory_space<semaphore_mem>> -> memref<!tpu.dma_semaphore, #tpu.memory_space<semaphore_mem>>
    %dma_wait3A_127 = arith.constant 0 : i32
    %dma_wait3A_128 = tpu.memref_slice %arg3[%add3A_123, %dma_wait3A_127] : memref<32768x256xf32, #tpu.memory_space<hbm>> -> memref<128x256xf32, #tpu.memory_space<hbm>>
    %dma_wait3A_129 = arith.constant 0 : i32
    %dma_wait3A_130 = arith.constant 0 : i32
    %dma_wait3A_131 = tpu.memref_slice %arg4[%arg1, %dma_wait3A_129, %dma_wait3A_130] : memref<16x128x256xf32, #tpu.memory_space<vmem_shared>> -> memref<1x128x256xf32, #tpu.memory_space<vmem_shared>>
    %dma_wait3A_132 = tpu.memref_squeeze %dma_wait3A_131 : memref<1x128x256xf32, #tpu.memory_space<vmem_shared>> -> memref<128x256xf32, #tpu.memory_space<vmem_shared>>
    tpu.wait_dma2 semaphore(%dma_wait3A_126 : memref<!tpu.dma_semaphore, #tpu.memory_space<semaphore_mem>>) src(%dma_wait3A_132 : memref<128x256xf32, #tpu.memory_space<vmem_shared>>) dst(%dma_wait3A_128 : memref<128x256xf32, #tpu.memory_space<hbm>>)
    %add3A_133 = arith.constant 384 : i32
    %add3A_134 = arith.addi %mul3A_2, %add3A_133 : i32
    %dma_start3A_135 = arith.constant 0 : i32
    %dma_start3A_136 = tpu.memref_slice %arg5[%dma_start3A_135] : memref<2x!tpu.dma_semaphore, #tpu.memory_space<semaphore_mem>> -> memref<1x!tpu.dma_semaphore, #tpu.memory_space<semaphore_mem>>
    %dma_start3A_137 = tpu.memref_squeeze %dma_start3A_136 : memref<1x!tpu.dma_semaphore, #tpu.memory_space<semaphore_mem>> -> memref<!tpu.dma_semaphore, #tpu.memory_space<semaphore_mem>>
    %dma_start3A_138 = arith.constant 0 : i32
    %dma_start3A_139 = arith.constant 0 : i32
    %dma_start3A_140 = tpu.memref_slice %arg4[%arg1, %dma_start3A_138, %dma_start3A_139] : memref<16x128x256xf32, #tpu.memory_space<vmem_shared>> -> memref<1x128x256xf32, #tpu.memory_space<vmem_shared>>
    %dma_start3A_141 = tpu.memref_squeeze %dma_start3A_140 : memref<1x128x256xf32, #tpu.memory_space<vmem_shared>> -> memref<128x256xf32, #tpu.memory_space<vmem_shared>>
    %dma_start3A_142 = arith.constant 0 : i32
    %dma_start3A_143 = tpu.memref_slice %arg2[%add3A_134, %dma_start3A_142] : memref<32768x256xf32, #tpu.memory_space<hbm>> -> memref<128x256xf32, #tpu.memory_space<hbm>>
    tpu.enqueue_dma source(%dma_start3A_143 : memref<128x256xf32, #tpu.memory_space<hbm>>) target(%dma_start3A_141 : memref<128x256xf32, #tpu.memory_space<vmem_shared>>) target_semaphore(%dma_start3A_137 : memref<!tpu.dma_semaphore, #tpu.memory_space<semaphore_mem>>)
    %add3A_144 = arith.constant 384 : i32
    %add3A_145 = arith.addi %mul3A_2, %add3A_144 : i32
    %dma_wait3A_146 = arith.constant 0 : i32
    %dma_wait3A_147 = tpu.memref_slice %arg5[%dma_wait3A_146] : memref<2x!tpu.dma_semaphore, #tpu.memory_space<semaphore_mem>> -> memref<1x!tpu.dma_semaphore, #tpu.memory_space<semaphore_mem>>
    %dma_wait3A_148 = tpu.memref_squeeze %dma_wait3A_147 : memref<1x!tpu.dma_semaphore, #tpu.memory_space<semaphore_mem>> -> memref<!tpu.dma_semaphore, #tpu.memory_space<semaphore_mem>>
    %dma_wait3A_149 = arith.constant 0 : i32
    %dma_wait3A_150 = arith.constant 0 : i32
    %dma_wait3A_151 = tpu.memref_slice %arg4[%arg1, %dma_wait3A_149, %dma_wait3A_150] : memref<16x128x256xf32, #tpu.memory_space<vmem_shared>> -> memref<1x128x256xf32, #tpu.memory_space<vmem_shared>>
    %dma_wait3A_152 = tpu.memref_squeeze %dma_wait3A_151 : memref<1x128x256xf32, #tpu.memory_space<vmem_shared>> -> memref<128x256xf32, #tpu.memory_space<vmem_shared>>
    %dma_wait3A_153 = arith.constant 0 : i32
    %dma_wait3A_154 = tpu.memref_slice %arg2[%add3A_145, %dma_wait3A_153] : memref<32768x256xf32, #tpu.memory_space<hbm>> -> memref<128x256xf32, #tpu.memory_space<hbm>>
    tpu.wait_dma2 semaphore(%dma_wait3A_148 : memref<!tpu.dma_semaphore, #tpu.memory_space<semaphore_mem>>) src(%dma_wait3A_154 : memref<128x256xf32, #tpu.memory_space<hbm>>) dst(%dma_wait3A_152 : memref<128x256xf32, #tpu.memory_space<vmem_shared>>)
    %add3A_155 = arith.constant 384 : i32
    %add3A_156 = arith.addi %mul3A_2, %add3A_155 : i32
    %dma_start3A_157 = arith.constant 1 : i32
    %dma_start3A_158 = tpu.memref_slice %arg5[%dma_start3A_157] : memref<2x!tpu.dma_semaphore, #tpu.memory_space<semaphore_mem>> -> memref<1x!tpu.dma_semaphore, #tpu.memory_space<semaphore_mem>>
    %dma_start3A_159 = tpu.memref_squeeze %dma_start3A_158 : memref<1x!tpu.dma_semaphore, #tpu.memory_space<semaphore_mem>> -> memref<!tpu.dma_semaphore, #tpu.memory_space<semaphore_mem>>
    %dma_start3A_160 = arith.constant 0 : i32
    %dma_start3A_161 = tpu.memref_slice %arg3[%add3A_156, %dma_start3A_160] : memref<32768x256xf32, #tpu.memory_space<hbm>> -> memref<128x256xf32, #tpu.memory_space<hbm>>
    %dma_start3A_162 = arith.constant 0 : i32
    %dma_start3A_163 = arith.constant 0 : i32
    %dma_start3A_164 = tpu.memref_slice %arg4[%arg1, %dma_start3A_162, %dma_start3A_163] : memref<16x128x256xf32, #tpu.memory_space<vmem_shared>> -> memref<1x128x256xf32, #tpu.memory_space<vmem_shared>>
    %dma_start3A_165 = tpu.memref_squeeze %dma_start3A_164 : memref<1x128x256xf32, #tpu.memory_space<vmem_shared>> -> memref<128x256xf32, #tpu.memory_space<vmem_shared>>
    tpu.enqueue_dma source(%dma_start3A_165 : memref<128x256xf32, #tpu.memory_space<vmem_shared>>) target(%dma_start3A_161 : memref<128x256xf32, #tpu.memory_space<hbm>>) target_semaphore(%dma_start3A_159 : memref<!tpu.dma_semaphore, #tpu.memory_space<semaphore_mem>>)
    %add3A_166 = arith.constant 384 : i32
    %add3A_167 = arith.addi %mul3A_2, %add3A_166 : i32
    %dma_wait3A_168 = arith.constant 1 : i32
    %dma_wait3A_169 = tpu.memref_slice %arg5[%dma_wait3A_168] : memref<2x!tpu.dma_semaphore, #tpu.memory_space<semaphore_mem>> -> memref<1x!tpu.dma_semaphore, #tpu.memory_space<semaphore_mem>>
    %dma_wait3A_170 = tpu.memref_squeeze %dma_wait3A_169 : memref<1x!tpu.dma_semaphore, #tpu.memory_space<semaphore_mem>> -> memref<!tpu.dma_semaphore, #tpu.memory_space<semaphore_mem>>
    %dma_wait3A_171 = arith.constant 0 : i32
    %dma_wait3A_172 = tpu.memref_slice %arg3[%add3A_167, %dma_wait3A_171] : memref<32768x256xf32, #tpu.memory_space<hbm>> -> memref<128x256xf32, #tpu.memory_space<hbm>>
    %dma_wait3A_173 = arith.constant 0 : i32
    %dma_wait3A_174 = arith.constant 0 : i32
    %dma_wait3A_175 = tpu.memref_slice %arg4[%arg1, %dma_wait3A_173, %dma_wait3A_174] : memref<16x128x256xf32, #tpu.memory_space<vmem_shared>> -> memref<1x128x256xf32, #tpu.memory_space<vmem_shared>>
    %dma_wait3A_176 = tpu.memref_squeeze %dma_wait3A_175 : memref<1x128x256xf32, #tpu.memory_space<vmem_shared>> -> memref<128x256xf32, #tpu.memory_space<vmem_shared>>
    tpu.wait_dma2 semaphore(%dma_wait3A_170 : memref<!tpu.dma_semaphore, #tpu.memory_space<semaphore_mem>>) src(%dma_wait3A_176 : memref<128x256xf32, #tpu.memory_space<vmem_shared>>) dst(%dma_wait3A_172 : memref<128x256xf32, #tpu.memory_space<hbm>>)
    %add3A_177 = arith.constant 512 : i32
    %add3A_178 = arith.addi %mul3A_2, %add3A_177 : i32
    %dma_start3A_179 = arith.constant 0 : i32
    %dma_start3A_180 = tpu.memref_slice %arg5[%dma_start3A_179] : memref<2x!tpu.dma_semaphore, #tpu.memory_space<semaphore_mem>> -> memref<1x!tpu.dma_semaphore, #tpu.memory_space<semaphore_mem>>
    %dma_start3A_181 = tpu.memref_squeeze %dma_start3A_180 : memref<1x!tpu.dma_semaphore, #tpu.memory_space<semaphore_mem>> -> memref<!tpu.dma_semaphore, #tpu.memory_space<semaphore_mem>>
    %dma_start3A_182 = arith.constant 0 : i32
    %dma_start3A_183 = arith.constant 0 : i32
    %dma_start3A_184 = tpu.memref_slice %arg4[%arg1, %dma_start3A_182, %dma_start3A_183] : memref<16x128x256xf32, #tpu.memory_space<vmem_shared>> -> memref<1x128x256xf32, #tpu.memory_space<vmem_shared>>
    %dma_start3A_185 = tpu.memref_squeeze %dma_start3A_184 : memref<1x128x256xf32, #tpu.memory_space<vmem_shared>> -> memref<128x256xf32, #tpu.memory_space<vmem_shared>>
    %dma_start3A_186 = arith.constant 0 : i32
    %dma_start3A_187 = tpu.memref_slice %arg2[%add3A_178, %dma_start3A_186] : memref<32768x256xf32, #tpu.memory_space<hbm>> -> memref<128x256xf32, #tpu.memory_space<hbm>>
    tpu.enqueue_dma source(%dma_start3A_187 : memref<128x256xf32, #tpu.memory_space<hbm>>) target(%dma_start3A_185 : memref<128x256xf32, #tpu.memory_space<vmem_shared>>) target_semaphore(%dma_start3A_181 : memref<!tpu.dma_semaphore, #tpu.memory_space<semaphore_mem>>)
    %add3A_188 = arith.constant 512 : i32
    %add3A_189 = arith.addi %mul3A_2, %add3A_188 : i32
    %dma_wait3A_190 = arith.constant 0 : i32
    %dma_wait3A_191 = tpu.memref_slice %arg5[%dma_wait3A_190] : memref<2x!tpu.dma_semaphore, #tpu.memory_space<semaphore_mem>> -> memref<1x!tpu.dma_semaphore, #tpu.memory_space<semaphore_mem>>
    %dma_wait3A_192 = tpu.memref_squeeze %dma_wait3A_191 : memref<1x!tpu.dma_semaphore, #tpu.memory_space<semaphore_mem>> -> memref<!tpu.dma_semaphore, #tpu.memory_space<semaphore_mem>>
    %dma_wait3A_193 = arith.constant 0 : i32
    %dma_wait3A_194 = arith.constant 0 : i32
    %dma_wait3A_195 = tpu.memref_slice %arg4[%arg1, %dma_wait3A_193, %dma_wait3A_194] : memref<16x128x256xf32, #tpu.memory_space<vmem_shared>> -> memref<1x128x256xf32, #tpu.memory_space<vmem_shared>>
    %dma_wait3A_196 = tpu.memref_squeeze %dma_wait3A_195 : memref<1x128x256xf32, #tpu.memory_space<vmem_shared>> -> memref<128x256xf32, #tpu.memory_space<vmem_shared>>
    %dma_wait3A_197 = arith.constant 0 : i32
    %dma_wait3A_198 = tpu.memref_slice %arg2[%add3A_189, %dma_wait3A_197] : memref<32768x256xf32, #tpu.memory_space<hbm>> -> memref<128x256xf32, #tpu.memory_space<hbm>>
    tpu.wait_dma2 semaphore(%dma_wait3A_192 : memref<!tpu.dma_semaphore, #tpu.memory_space<semaphore_mem>>) src(%dma_wait3A_198 : memref<128x256xf32, #tpu.memory_space<hbm>>) dst(%dma_wait3A_196 : memref<128x256xf32, #tpu.memory_space<vmem_shared>>)
    %add3A_199 = arith.constant 512 : i32
    %add3A_200 = arith.addi %mul3A_2, %add3A_199 : i32
    %dma_start3A_201 = arith.constant 1 : i32
    %dma_start3A_202 = tpu.memref_slice %arg5[%dma_start3A_201] : memref<2x!tpu.dma_semaphore, #tpu.memory_space<semaphore_mem>> -> memref<1x!tpu.dma_semaphore, #tpu.memory_space<semaphore_mem>>
    %dma_start3A_203 = tpu.memref_squeeze %dma_start3A_202 : memref<1x!tpu.dma_semaphore, #tpu.memory_space<semaphore_mem>> -> memref<!tpu.dma_semaphore, #tpu.memory_space<semaphore_mem>>
    %dma_start3A_204 = arith.constant 0 : i32
    %dma_start3A_205 = tpu.memref_slice %arg3[%add3A_200, %dma_start3A_204] : memref<32768x256xf32, #tpu.memory_space<hbm>> -> memref<128x256xf32, #tpu.memory_space<hbm>>
    %dma_start3A_206 = arith.constant 0 : i32
    %dma_start3A_207 = arith.constant 0 : i32
    %dma_start3A_208 = tpu.memref_slice %arg4[%arg1, %dma_start3A_206, %dma_start3A_207] : memref<16x128x256xf32, #tpu.memory_space<vmem_shared>> -> memref<1x128x256xf32, #tpu.memory_space<vmem_shared>>
    %dma_start3A_209 = tpu.memref_squeeze %dma_start3A_208 : memref<1x128x256xf32, #tpu.memory_space<vmem_shared>> -> memref<128x256xf32, #tpu.memory_space<vmem_shared>>
    tpu.enqueue_dma source(%dma_start3A_209 : memref<128x256xf32, #tpu.memory_space<vmem_shared>>) target(%dma_start3A_205 : memref<128x256xf32, #tpu.memory_space<hbm>>) target_semaphore(%dma_start3A_203 : memref<!tpu.dma_semaphore, #tpu.memory_space<semaphore_mem>>)
    %add3A_210 = arith.constant 512 : i32
    %add3A_211 = arith.addi %mul3A_2, %add3A_210 : i32
    %dma_wait3A_212 = arith.constant 1 : i32
    %dma_wait3A_213 = tpu.memref_slice %arg5[%dma_wait3A_212] : memref<2x!tpu.dma_semaphore, #tpu.memory_space<semaphore_mem>> -> memref<1x!tpu.dma_semaphore, #tpu.memory_space<semaphore_mem>>
    %dma_wait3A_214 = tpu.memref_squeeze %dma_wait3A_213 : memref<1x!tpu.dma_semaphore, #tpu.memory_space<semaphore_mem>> -> memref<!tpu.dma_semaphore, #tpu.memory_space<semaphore_mem>>
    %dma_wait3A_215 = arith.constant 0 : i32
    %dma_wait3A_216 = tpu.memref_slice %arg3[%add3A_211, %dma_wait3A_215] : memref<32768x256xf32, #tpu.memory_space<hbm>> -> memref<128x256xf32, #tpu.memory_space<hbm>>
    %dma_wait3A_217 = arith.constant 0 : i32
    %dma_wait3A_218 = arith.constant 0 : i32
    %dma_wait3A_219 = tpu.memref_slice %arg4[%arg1, %dma_wait3A_217, %dma_wait3A_218] : memref<16x128x256xf32, #tpu.memory_space<vmem_shared>> -> memref<1x128x256xf32, #tpu.memory_space<vmem_shared>>
    %dma_wait3A_220 = tpu.memref_squeeze %dma_wait3A_219 : memref<1x128x256xf32, #tpu.memory_space<vmem_shared>> -> memref<128x256xf32, #tpu.memory_space<vmem_shared>>
    tpu.wait_dma2 semaphore(%dma_wait3A_214 : memref<!tpu.dma_semaphore, #tpu.memory_space<semaphore_mem>>) src(%dma_wait3A_220 : memref<128x256xf32, #tpu.memory_space<vmem_shared>>) dst(%dma_wait3A_216 : memref<128x256xf32, #tpu.memory_space<hbm>>)
    %add3A_221 = arith.constant 640 : i32
    %add3A_222 = arith.addi %mul3A_2, %add3A_221 : i32
    %dma_start3A_223 = arith.constant 0 : i32
    %dma_start3A_224 = tpu.memref_slice %arg5[%dma_start3A_223] : memref<2x!tpu.dma_semaphore, #tpu.memory_space<semaphore_mem>> -> memref<1x!tpu.dma_semaphore, #tpu.memory_space<semaphore_mem>>
    %dma_start3A_225 = tpu.memref_squeeze %dma_start3A_224 : memref<1x!tpu.dma_semaphore, #tpu.memory_space<semaphore_mem>> -> memref<!tpu.dma_semaphore, #tpu.memory_space<semaphore_mem>>
    %dma_start3A_226 = arith.constant 0 : i32
    %dma_start3A_227 = arith.constant 0 : i32
    %dma_start3A_228 = tpu.memref_slice %arg4[%arg1, %dma_start3A_226, %dma_start3A_227] : memref<16x128x256xf32, #tpu.memory_space<vmem_shared>> -> memref<1x128x256xf32, #tpu.memory_space<vmem_shared>>
    %dma_start3A_229 = tpu.memref_squeeze %dma_start3A_228 : memref<1x128x256xf32, #tpu.memory_space<vmem_shared>> -> memref<128x256xf32, #tpu.memory_space<vmem_shared>>
    %dma_start3A_230 = arith.constant 0 : i32
    %dma_start3A_231 = tpu.memref_slice %arg2[%add3A_222, %dma_start3A_230] : memref<32768x256xf32, #tpu.memory_space<hbm>> -> memref<128x256xf32, #tpu.memory_space<hbm>>
    tpu.enqueue_dma source(%dma_start3A_231 : memref<128x256xf32, #tpu.memory_space<hbm>>) target(%dma_start3A_229 : memref<128x256xf32, #tpu.memory_space<vmem_shared>>) target_semaphore(%dma_start3A_225 : memref<!tpu.dma_semaphore, #tpu.memory_space<semaphore_mem>>)
    %add3A_232 = arith.constant 640 : i32
    %add3A_233 = arith.addi %mul3A_2, %add3A_232 : i32
    %dma_wait3A_234 = arith.constant 0 : i32
    %dma_wait3A_235 = tpu.memref_slice %arg5[%dma_wait3A_234] : memref<2x!tpu.dma_semaphore, #tpu.memory_space<semaphore_mem>> -> memref<1x!tpu.dma_semaphore, #tpu.memory_space<semaphore_mem>>
    %dma_wait3A_236 = tpu.memref_squeeze %dma_wait3A_235 : memref<1x!tpu.dma_semaphore, #tpu.memory_space<semaphore_mem>> -> memref<!tpu.dma_semaphore, #tpu.memory_space<semaphore_mem>>
    %dma_wait3A_237 = arith.constant 0 : i32
    %dma_wait3A_238 = arith.constant 0 : i32
    %dma_wait3A_239 = tpu.memref_slice %arg4[%arg1, %dma_wait3A_237, %dma_wait3A_238] : memref<16x128x256xf32, #tpu.memory_space<vmem_shared>> -> memref<1x128x256xf32, #tpu.memory_space<vmem_shared>>
    %dma_wait3A_240 = tpu.memref_squeeze %dma_wait3A_239 : memref<1x128x256xf32, #tpu.memory_space<vmem_shared>> -> memref<128x256xf32, #tpu.memory_space<vmem_shared>>
    %dma_wait3A_241 = arith.constant 0 : i32
    %dma_wait3A_242 = tpu.memref_slice %arg2[%add3A_233, %dma_wait3A_241] : memref<32768x256xf32, #tpu.memory_space<hbm>> -> memref<128x256xf32, #tpu.memory_space<hbm>>
    tpu.wait_dma2 semaphore(%dma_wait3A_236 : memref<!tpu.dma_semaphore, #tpu.memory_space<semaphore_mem>>) src(%dma_wait3A_242 : memref<128x256xf32, #tpu.memory_space<hbm>>) dst(%dma_wait3A_240 : memref<128x256xf32, #tpu.memory_space<vmem_shared>>)
    %add3A_243 = arith.constant 640 : i32
    %add3A_244 = arith.addi %mul3A_2, %add3A_243 : i32
    %dma_start3A_245 = arith.constant 1 : i32
    %dma_start3A_246 = tpu.memref_slice %arg5[%dma_start3A_245] : memref<2x!tpu.dma_semaphore, #tpu.memory_space<semaphore_mem>> -> memref<1x!tpu.dma_semaphore, #tpu.memory_space<semaphore_mem>>
    %dma_start3A_247 = tpu.memref_squeeze %dma_start3A_246 : memref<1x!tpu.dma_semaphore, #tpu.memory_space<semaphore_mem>> -> memref<!tpu.dma_semaphore, #tpu.memory_space<semaphore_mem>>
    %dma_start3A_248 = arith.constant 0 : i32
    %dma_start3A_249 = tpu.memref_slice %arg3[%add3A_244, %dma_start3A_248] : memref<32768x256xf32, #tpu.memory_space<hbm>> -> memref<128x256xf32, #tpu.memory_space<hbm>>
    %dma_start3A_250 = arith.constant 0 : i32
    %dma_start3A_251 = arith.constant 0 : i32
    %dma_start3A_252 = tpu.memref_slice %arg4[%arg1, %dma_start3A_250, %dma_start3A_251] : memref<16x128x256xf32, #tpu.memory_space<vmem_shared>> -> memref<1x128x256xf32, #tpu.memory_space<vmem_shared>>
    %dma_start3A_253 = tpu.memref_squeeze %dma_start3A_252 : memref<1x128x256xf32, #tpu.memory_space<vmem_shared>> -> memref<128x256xf32, #tpu.memory_space<vmem_shared>>
    tpu.enqueue_dma source(%dma_start3A_253 : memref<128x256xf32, #tpu.memory_space<vmem_shared>>) target(%dma_start3A_249 : memref<128x256xf32, #tpu.memory_space<hbm>>) target_semaphore(%dma_start3A_247 : memref<!tpu.dma_semaphore, #tpu.memory_space<semaphore_mem>>)
    %add3A_254 = arith.constant 640 : i32
    %add3A_255 = arith.addi %mul3A_2, %add3A_254 : i32
    %dma_wait3A_256 = arith.constant 1 : i32
    %dma_wait3A_257 = tpu.memref_slice %arg5[%dma_wait3A_256] : memref<2x!tpu.dma_semaphore, #tpu.memory_space<semaphore_mem>> -> memref<1x!tpu.dma_semaphore, #tpu.memory_space<semaphore_mem>>
    %dma_wait3A_258 = tpu.memref_squeeze %dma_wait3A_257 : memref<1x!tpu.dma_semaphore, #tpu.memory_space<semaphore_mem>> -> memref<!tpu.dma_semaphore, #tpu.memory_space<semaphore_mem>>
    %dma_wait3A_259 = arith.constant 0 : i32
    %dma_wait3A_260 = tpu.memref_slice %arg3[%add3A_255, %dma_wait3A_259] : memref<32768x256xf32, #tpu.memory_space<hbm>> -> memref<128x256xf32, #tpu.memory_space<hbm>>
    %dma_wait3A_261 = arith.constant 0 : i32
    %dma_wait3A_262 = arith.constant 0 : i32
    %dma_wait3A_263 = tpu.memref_slice %arg4[%arg1, %dma_wait3A_261, %dma_wait3A_262] : memref<16x128x256xf32, #tpu.memory_space<vmem_shared>> -> memref<1x128x256xf32, #tpu.memory_space<vmem_shared>>
    %dma_wait3A_264 = tpu.memref_squeeze %dma_wait3A_263 : memref<1x128x256xf32, #tpu.memory_space<vmem_shared>> -> memref<128x256xf32, #tpu.memory_space<vmem_shared>>
    tpu.wait_dma2 semaphore(%dma_wait3A_258 : memref<!tpu.dma_semaphore, #tpu.memory_space<semaphore_mem>>) src(%dma_wait3A_264 : memref<128x256xf32, #tpu.memory_space<vmem_shared>>) dst(%dma_wait3A_260 : memref<128x256xf32, #tpu.memory_space<hbm>>)
    %add3A_265 = arith.constant 768 : i32
    %add3A_266 = arith.addi %mul3A_2, %add3A_265 : i32
    %dma_start3A_267 = arith.constant 0 : i32
    %dma_start3A_268 = tpu.memref_slice %arg5[%dma_start3A_267] : memref<2x!tpu.dma_semaphore, #tpu.memory_space<semaphore_mem>> -> memref<1x!tpu.dma_semaphore, #tpu.memory_space<semaphore_mem>>
    %dma_start3A_269 = tpu.memref_squeeze %dma_start3A_268 : memref<1x!tpu.dma_semaphore, #tpu.memory_space<semaphore_mem>> -> memref<!tpu.dma_semaphore, #tpu.memory_space<semaphore_mem>>
    %dma_start3A_270 = arith.constant 0 : i32
    %dma_start3A_271 = arith.constant 0 : i32
    %dma_start3A_272 = tpu.memref_slice %arg4[%arg1, %dma_start3A_270, %dma_start3A_271] : memref<16x128x256xf32, #tpu.memory_space<vmem_shared>> -> memref<1x128x256xf32, #tpu.memory_space<vmem_shared>>
    %dma_start3A_273 = tpu.memref_squeeze %dma_start3A_272 : memref<1x128x256xf32, #tpu.memory_space<vmem_shared>> -> memref<128x256xf32, #tpu.memory_space<vmem_shared>>
    %dma_start3A_274 = arith.constant 0 : i32
    %dma_start3A_275 = tpu.memref_slice %arg2[%add3A_266, %dma_start3A_274] : memref<32768x256xf32, #tpu.memory_space<hbm>> -> memref<128x256xf32, #tpu.memory_space<hbm>>
    tpu.enqueue_dma source(%dma_start3A_275 : memref<128x256xf32, #tpu.memory_space<hbm>>) target(%dma_start3A_273 : memref<128x256xf32, #tpu.memory_space<vmem_shared>>) target_semaphore(%dma_start3A_269 : memref<!tpu.dma_semaphore, #tpu.memory_space<semaphore_mem>>)
    %add3A_276 = arith.constant 768 : i32
    %add3A_277 = arith.addi %mul3A_2, %add3A_276 : i32
    %dma_wait3A_278 = arith.constant 0 : i32
    %dma_wait3A_279 = tpu.memref_slice %arg5[%dma_wait3A_278] : memref<2x!tpu.dma_semaphore, #tpu.memory_space<semaphore_mem>> -> memref<1x!tpu.dma_semaphore, #tpu.memory_space<semaphore_mem>>
    %dma_wait3A_280 = tpu.memref_squeeze %dma_wait3A_279 : memref<1x!tpu.dma_semaphore, #tpu.memory_space<semaphore_mem>> -> memref<!tpu.dma_semaphore, #tpu.memory_space<semaphore_mem>>
    %dma_wait3A_281 = arith.constant 0 : i32
    %dma_wait3A_282 = arith.constant 0 : i32
    %dma_wait3A_283 = tpu.memref_slice %arg4[%arg1, %dma_wait3A_281, %dma_wait3A_282] : memref<16x128x256xf32, #tpu.memory_space<vmem_shared>> -> memref<1x128x256xf32, #tpu.memory_space<vmem_shared>>
    %dma_wait3A_284 = tpu.memref_squeeze %dma_wait3A_283 : memref<1x128x256xf32, #tpu.memory_space<vmem_shared>> -> memref<128x256xf32, #tpu.memory_space<vmem_shared>>
    %dma_wait3A_285 = arith.constant 0 : i32
    %dma_wait3A_286 = tpu.memref_slice %arg2[%add3A_277, %dma_wait3A_285] : memref<32768x256xf32, #tpu.memory_space<hbm>> -> memref<128x256xf32, #tpu.memory_space<hbm>>
    tpu.wait_dma2 semaphore(%dma_wait3A_280 : memref<!tpu.dma_semaphore, #tpu.memory_space<semaphore_mem>>) src(%dma_wait3A_286 : memref<128x256xf32, #tpu.memory_space<hbm>>) dst(%dma_wait3A_284 : memref<128x256xf32, #tpu.memory_space<vmem_shared>>)
    %add3A_287 = arith.constant 768 : i32
    %add3A_288 = arith.addi %mul3A_2, %add3A_287 : i32
    %dma_start3A_289 = arith.constant 1 : i32
    %dma_start3A_290 = tpu.memref_slice %arg5[%dma_start3A_289] : memref<2x!tpu.dma_semaphore, #tpu.memory_space<semaphore_mem>> -> memref<1x!tpu.dma_semaphore, #tpu.memory_space<semaphore_mem>>
    %dma_start3A_291 = tpu.memref_squeeze %dma_start3A_290 : memref<1x!tpu.dma_semaphore, #tpu.memory_space<semaphore_mem>> -> memref<!tpu.dma_semaphore, #tpu.memory_space<semaphore_mem>>
    %dma_start3A_292 = arith.constant 0 : i32
    %dma_start3A_293 = tpu.memref_slice %arg3[%add3A_288, %dma_start3A_292] : memref<32768x256xf32, #tpu.memory_space<hbm>> -> memref<128x256xf32, #tpu.memory_space<hbm>>
    %dma_start3A_294 = arith.constant 0 : i32
    %dma_start3A_295 = arith.constant 0 : i32
    %dma_start3A_296 = tpu.memref_slice %arg4[%arg1, %dma_start3A_294, %dma_start3A_295] : memref<16x128x256xf32, #tpu.memory_space<vmem_shared>> -> memref<1x128x256xf32, #tpu.memory_space<vmem_shared>>
    %dma_start3A_297 = tpu.memref_squeeze %dma_start3A_296 : memref<1x128x256xf32, #tpu.memory_space<vmem_shared>> -> memref<128x256xf32, #tpu.memory_space<vmem_shared>>
    tpu.enqueue_dma source(%dma_start3A_297 : memref<128x256xf32, #tpu.memory_space<vmem_shared>>) target(%dma_start3A_293 : memref<128x256xf32, #tpu.memory_space<hbm>>) target_semaphore(%dma_start3A_291 : memref<!tpu.dma_semaphore, #tpu.memory_space<semaphore_mem>>)
    %add3A_298 = arith.constant 768 : i32
    %add3A_299 = arith.addi %mul3A_2, %add3A_298 : i32
    %dma_wait3A_300 = arith.constant 1 : i32
    %dma_wait3A_301 = tpu.memref_slice %arg5[%dma_wait3A_300] : memref<2x!tpu.dma_semaphore, #tpu.memory_space<semaphore_mem>> -> memref<1x!tpu.dma_semaphore, #tpu.memory_space<semaphore_mem>>
    %dma_wait3A_302 = tpu.memref_squeeze %dma_wait3A_301 : memref<1x!tpu.dma_semaphore, #tpu.memory_space<semaphore_mem>> -> memref<!tpu.dma_semaphore, #tpu.memory_space<semaphore_mem>>
    %dma_wait3A_303 = arith.constant 0 : i32
    %dma_wait3A_304 = tpu.memref_slice %arg3[%add3A_299, %dma_wait3A_303] : memref<32768x256xf32, #tpu.memory_space<hbm>> -> memref<128x256xf32, #tpu.memory_space<hbm>>
    %dma_wait3A_305 = arith.constant 0 : i32
    %dma_wait3A_306 = arith.constant 0 : i32
    %dma_wait3A_307 = tpu.memref_slice %arg4[%arg1, %dma_wait3A_305, %dma_wait3A_306] : memref<16x128x256xf32, #tpu.memory_space<vmem_shared>> -> memref<1x128x256xf32, #tpu.memory_space<vmem_shared>>
    %dma_wait3A_308 = tpu.memref_squeeze %dma_wait3A_307 : memref<1x128x256xf32, #tpu.memory_space<vmem_shared>> -> memref<128x256xf32, #tpu.memory_space<vmem_shared>>
    tpu.wait_dma2 semaphore(%dma_wait3A_302 : memref<!tpu.dma_semaphore, #tpu.memory_space<semaphore_mem>>) src(%dma_wait3A_308 : memref<128x256xf32, #tpu.memory_space<vmem_shared>>) dst(%dma_wait3A_304 : memref<128x256xf32, #tpu.memory_space<hbm>>)
    %add3A_309 = arith.constant 896 : i32
    %add3A_310 = arith.addi %mul3A_2, %add3A_309 : i32
    %dma_start3A_311 = arith.constant 0 : i32
    %dma_start3A_312 = tpu.memref_slice %arg5[%dma_start3A_311] : memref<2x!tpu.dma_semaphore, #tpu.memory_space<semaphore_mem>> -> memref<1x!tpu.dma_semaphore, #tpu.memory_space<semaphore_mem>>
    %dma_start3A_313 = tpu.memref_squeeze %dma_start3A_312 : memref<1x!tpu.dma_semaphore, #tpu.memory_space<semaphore_mem>> -> memref<!tpu.dma_semaphore, #tpu.memory_space<semaphore_mem>>
    %dma_start3A_314 = arith.constant 0 : i32
    %dma_start3A_315 = arith.constant 0 : i32
    %dma_start3A_316 = tpu.memref_slice %arg4[%arg1, %dma_start3A_314, %dma_start3A_315] : memref<16x128x256xf32, #tpu.memory_space<vmem_shared>> -> memref<1x128x256xf32, #tpu.memory_space<vmem_shared>>
    %dma_start3A_317 = tpu.memref_squeeze %dma_start3A_316 : memref<1x128x256xf32, #tpu.memory_space<vmem_shared>> -> memref<128x256xf32, #tpu.memory_space<vmem_shared>>
    %dma_start3A_318 = arith.constant 0 : i32
    %dma_start3A_319 = tpu.memref_slice %arg2[%add3A_310, %dma_start3A_318] : memref<32768x256xf32, #tpu.memory_space<hbm>> -> memref<128x256xf32, #tpu.memory_space<hbm>>
    tpu.enqueue_dma source(%dma_start3A_319 : memref<128x256xf32, #tpu.memory_space<hbm>>) target(%dma_start3A_317 : memref<128x256xf32, #tpu.memory_space<vmem_shared>>) target_semaphore(%dma_start3A_313 : memref<!tpu.dma_semaphore, #tpu.memory_space<semaphore_mem>>)
    %add3A_320 = arith.constant 896 : i32
    %add3A_321 = arith.addi %mul3A_2, %add3A_320 : i32
    %dma_wait3A_322 = arith.constant 0 : i32
    %dma_wait3A_323 = tpu.memref_slice %arg5[%dma_wait3A_322] : memref<2x!tpu.dma_semaphore, #tpu.memory_space<semaphore_mem>> -> memref<1x!tpu.dma_semaphore, #tpu.memory_space<semaphore_mem>>
    %dma_wait3A_324 = tpu.memref_squeeze %dma_wait3A_323 : memref<1x!tpu.dma_semaphore, #tpu.memory_space<semaphore_mem>> -> memref<!tpu.dma_semaphore, #tpu.memory_space<semaphore_mem>>
    %dma_wait3A_325 = arith.constant 0 : i32
    %dma_wait3A_326 = arith.constant 0 : i32
    %dma_wait3A_327 = tpu.memref_slice %arg4[%arg1, %dma_wait3A_325, %dma_wait3A_326] : memref<16x128x256xf32, #tpu.memory_space<vmem_shared>> -> memref<1x128x256xf32, #tpu.memory_space<vmem_shared>>
    %dma_wait3A_328 = tpu.memref_squeeze %dma_wait3A_327 : memref<1x128x256xf32, #tpu.memory_space<vmem_shared>> -> memref<128x256xf32, #tpu.memory_space<vmem_shared>>
    %dma_wait3A_329 = arith.constant 0 : i32
    %dma_wait3A_330 = tpu.memref_slice %arg2[%add3A_321, %dma_wait3A_329] : memref<32768x256xf32, #tpu.memory_space<hbm>> -> memref<128x256xf32, #tpu.memory_space<hbm>>
    tpu.wait_dma2 semaphore(%dma_wait3A_324 : memref<!tpu.dma_semaphore, #tpu.memory_space<semaphore_mem>>) src(%dma_wait3A_330 : memref<128x256xf32, #tpu.memory_space<hbm>>) dst(%dma_wait3A_328 : memref<128x256xf32, #tpu.memory_space<vmem_shared>>)
    %add3A_331 = arith.constant 896 : i32
    %add3A_332 = arith.addi %mul3A_2, %add3A_331 : i32
    %dma_start3A_333 = arith.constant 1 : i32
    %dma_start3A_334 = tpu.memref_slice %arg5[%dma_start3A_333] : memref<2x!tpu.dma_semaphore, #tpu.memory_space<semaphore_mem>> -> memref<1x!tpu.dma_semaphore, #tpu.memory_space<semaphore_mem>>
    %dma_start3A_335 = tpu.memref_squeeze %dma_start3A_334 : memref<1x!tpu.dma_semaphore, #tpu.memory_space<semaphore_mem>> -> memref<!tpu.dma_semaphore, #tpu.memory_space<semaphore_mem>>
    %dma_start3A_336 = arith.constant 0 : i32
    %dma_start3A_337 = tpu.memref_slice %arg3[%add3A_332, %dma_start3A_336] : memref<32768x256xf32, #tpu.memory_space<hbm>> -> memref<128x256xf32, #tpu.memory_space<hbm>>
    %dma_start3A_338 = arith.constant 0 : i32
    %dma_start3A_339 = arith.constant 0 : i32
    %dma_start3A_340 = tpu.memref_slice %arg4[%arg1, %dma_start3A_338, %dma_start3A_339] : memref<16x128x256xf32, #tpu.memory_space<vmem_shared>> -> memref<1x128x256xf32, #tpu.memory_space<vmem_shared>>
    %dma_start3A_341 = tpu.memref_squeeze %dma_start3A_340 : memref<1x128x256xf32, #tpu.memory_space<vmem_shared>> -> memref<128x256xf32, #tpu.memory_space<vmem_shared>>
    tpu.enqueue_dma source(%dma_start3A_341 : memref<128x256xf32, #tpu.memory_space<vmem_shared>>) target(%dma_start3A_337 : memref<128x256xf32, #tpu.memory_space<hbm>>) target_semaphore(%dma_start3A_335 : memref<!tpu.dma_semaphore, #tpu.memory_space<semaphore_mem>>)
    %add3A_342 = arith.constant 896 : i32
    %add3A_343 = arith.addi %mul3A_2, %add3A_342 : i32
    %dma_wait3A_344 = arith.constant 1 : i32
    %dma_wait3A_345 = tpu.memref_slice %arg5[%dma_wait3A_344] : memref<2x!tpu.dma_semaphore, #tpu.memory_space<semaphore_mem>> -> memref<1x!tpu.dma_semaphore, #tpu.memory_space<semaphore_mem>>
    %dma_wait3A_346 = tpu.memref_squeeze %dma_wait3A_345 : memref<1x!tpu.dma_semaphore, #tpu.memory_space<semaphore_mem>> -> memref<!tpu.dma_semaphore, #tpu.memory_space<semaphore_mem>>
    %dma_wait3A_347 = arith.constant 0 : i32
    %dma_wait3A_348 = tpu.memref_slice %arg3[%add3A_343, %dma_wait3A_347] : memref<32768x256xf32, #tpu.memory_space<hbm>> -> memref<128x256xf32, #tpu.memory_space<hbm>>
    %dma_wait3A_349 = arith.constant 0 : i32
    %dma_wait3A_350 = arith.constant 0 : i32
    %dma_wait3A_351 = tpu.memref_slice %arg4[%arg1, %dma_wait3A_349, %dma_wait3A_350] : memref<16x128x256xf32, #tpu.memory_space<vmem_shared>> -> memref<1x128x256xf32, #tpu.memory_space<vmem_shared>>
    %dma_wait3A_352 = tpu.memref_squeeze %dma_wait3A_351 : memref<1x128x256xf32, #tpu.memory_space<vmem_shared>> -> memref<128x256xf32, #tpu.memory_space<vmem_shared>>
    tpu.wait_dma2 semaphore(%dma_wait3A_346 : memref<!tpu.dma_semaphore, #tpu.memory_space<semaphore_mem>>) src(%dma_wait3A_352 : memref<128x256xf32, #tpu.memory_space<vmem_shared>>) dst(%dma_wait3A_348 : memref<128x256xf32, #tpu.memory_space<hbm>>)
    return
  }
}

</mosaic_0001>

<sc_bundles>
// kernel: kernel.3.cloned.1.call-start
scs
__scs_entry_jumppad:
0x0: {  	(pc) =	sbr.rel $0x88, $3  }
0x1: {  	(tag) =	ssettag $0x0;
	lr =	simm.s32 $0x1  }
0x2: {  	[smem:$0x3FA0] =	sst lr;
	_ =	strace $0xD0000000  }
0x3: {  	_ = 	snop  }
0x4: {  	_ = 	snop  }
0x5: {  	_ = 	snop  }
0x6: {  	_ = 	snop  }
0x7: {  	_ = 	snop  }
__scs_overlays_trampoline_lowered:
0x8: {  	[smem:$0x3FAF] =	sst s0  }
0x9: {  	[smem:$0x3FB0] =	sst s1  }
0xa: {  	[smem:$0x3FB1] =	sst s2  }
0xb: {  	[smem:$0x3FB2] =	sst s3  }
0xc: {  	[smem:$0x3FB3] =	sst s4  }
0xd: {  	[smem:$0x3FB4] =	sst s5  }
0xe: {  	[smem:$0x3FB5] =	sst s6  }
0xf: {  	[smem:$0x3FB6] =	sst s7  }
0x10: {  	[smem:$0x3FB7] =	sst s8  }
0x11: {  	[smem:$0x3FB8] =	sst s9;
	s0 =	simm.s32 @!p0 $0x0  }
0x12: {  	s1 =	sld [smem:$0x3F9E];
	s0 =	simm.s32 @p0 $0x1  }
0x13: {  	[smem:$0x3FB9] =	sst s0;
	s0 =	simm.s32 @!p1 $0x0  }
0x14: {  	s2 =	sld [smem:$0x3F9D];
	s0 =	simm.s32 @p1 $0x1  }
0x15: {  	[smem:$0x3FBA] =	sst s0;
	s0 =	simm.s32 @!p2 $0x0  }
0x16: {  	s3 =	sld [smem:$0x3FDB];
	s0 =	simm.s32 @p2 $0x1  }
0x17: {  	s4 =	simm.s32 $0x1BF5;
	[smem:$0x3FBC] =	sst s0  }
0x18: {  	s0 =	sld [smem:$0x3F9F];
	_ =	swait.ge [sflag:s4], $0x0  }
0x19: {  	s7 =	sld [smem:$0x3FA0]  }
0x1a: {  	s8 =	sadd.s32 $0xFFFFE003, lr  }
0x1b: {  	s9 =	sadd.s32 $0xFFFFFEF7, lr;
	s5 =	simm.s32 $0xFFFFFFFF;
	p2 =	slt.u32 s8, $0xFFFFF086  }
0x1c: {  	p1 =	slt.u32 s9, $0xF7A;
	s5 =	simm.s32 @!p2 $0x0  }
0x1d: {  	s5 =	simm.s32 @p1 $0x1;
	p0 =	seq.s32 s7, s2  }
0x1e: {  	s7 =	smul.u32 @!p0 $0xF7A, s2;
	p2 =	seq.s32 @!p0 s5, $0x0  }
0x1f: {  	s9 =	smul.u32 $0xF7A, s1;
	s8 =	simm.s32 @!p0 $0x1BF5;
	p2 =	por !p2, p0  }
0x20: {  	[sflag:s8] =	ssyncset.s32 @!p0 $0xFFFFF086;
	s6 =	sadd.s32 @!p0 s3, s7;
	s7 =	simm.s32 @!p0 $0x108  }
0x21: {  	s3 =	sadd.s32 s3, s9;
	s6 =	sadd.s32 @!p0 $0x88, s6;
	s7 =	simm.s32 @p2 $0x1082  }
0x22: {  	[simem:s7], [sflag:s8] =	dma.local @!p0 [hbm:s6], $0xF7A  }
0x23: {  	s9 =	sor.u32 $0xD0000000, s2;
	s6 =	simm.s32 $0x108;
	_ =	swait.ge @!p0 [sflag:s8], $0x0  }
0x24: {  	s3 =	sadd.s32 $0x88, s3;
	s6 =	simm.s32 @!p1 $0x1082;
	[sflag:s4] =	ssyncset.s32 $0xFFFFF086  }
0x25: {  	[simem:s6], [sflag:s4] =	dma.local [hbm:s3], $0xF7A  }
0x26: {  	[smem:$0x3FA0] =	sst s1;
	(tag) =	ssettag s2;
	_ =	strace s9  }
0x27: {  	s1 =	sld [smem:$0x3FB0]  }
0x28: {  	s2 =	sld [smem:$0x3FB1]  }
0x29: {  	s4 =	sld [smem:$0x3FB3]  }
0x2a: {  	p0 =	seq.s32 s5, $0x0;
	s5 =	sld [smem:$0x3FB4]  }
0x2b: {  	s6 =	sld [smem:$0x3FB5]  }
0x2c: {  	s7 =	sld [smem:$0x3FB6]  }
0x2d: {  	s3 =	simm.s32 $0x108;
	s8 =	sld [smem:$0x3FB7]  }
0x2e: {  	s3 =	simm.s32 @!p0 $0x1082;
	s9 =	sld [smem:$0x3FB8]  }
0x2f: {  	lr =	sadd.s32 s0, s3;
	s0 =	sld [smem:$0x3FAF]  }
0x30: {  	s3 =	sld [smem:$0x3FB2]  }
0x31: {  	[smem:$0x3FBB] =	sst s10  }
0x32: {  	s10 =	sld [smem:$0x3FB9];
	_ =	sdelay $0x3  }
0x33: {  	p0 =	seq.s32 s10, $0x1;
	s10 =	sld [smem:$0x3FBB];
	_ =	sdelay $0x3  }
0x34: {  	[smem:$0x3FBB] =	sst s10  }
0x35: {  	s10 =	sld [smem:$0x3FBA];
	_ =	sdelay $0x3  }
0x36: {  	p1 =	seq.s32 s10, $0x1;
	s10 =	sld [smem:$0x3FBB];
	_ =	sdelay $0x3  }
0x37: {  	[smem:$0x3FBB] =	sst s10  }
0x38: {  	s10 =	sld [smem:$0x3FBC]  }
0x39: {  	_ = 	snop;
	(pc) =	sbr.ind lr, $3  }
0x3a: {  	_ = 	snop  }
0x3b: {  	_ = 	snop  }
0x3c: {  	p2 =	seq.s32 s10, $0x1;
	s10 =	sld [smem:$0x3FBB]  }
0x3d: {  	_ =	shalt  }
0x3e: {  	_ =	shalt  }
0x3f: {  	_ =	shalt  }
0x40: {  	_ =	shalt  }
0x41: {  	_ =	shalt  }
0x42: {  	_ =	shalt  }
0x43: {  	_ =	shalt  }
0x44: {  	_ =	shalt  }
0x45: {  	_ =	shalt  }
0x46: {  	_ =	shalt  }
0x47: {  	_ =	shalt  }
0x48: {  	_ =	shalt  }
0x49: {  	_ =	shalt  }
0x4a: {  	_ =	shalt  }
0x4b: {  	_ =	shalt  }
0x4c: {  	_ =	shalt  }
0x4d: {  	_ =	shalt  }
0x4e: {  	_ =	shalt  }
0x4f: {  	_ =	shalt  }
0x50: {  	_ =	shalt  }
0x51: {  	_ =	shalt  }
0x52: {  	_ =	shalt  }
0x53: {  	_ =	shalt  }
0x54: {  	_ =	shalt  }
0x55: {  	_ =	shalt  }
0x56: {  	_ =	shalt  }
0x57: {  	_ =	shalt  }
0x58: {  	_ =	shalt  }
0x59: {  	_ =	shalt  }
0x5a: {  	_ =	shalt  }
0x5b: {  	_ =	shalt  }
0x5c: {  	_ =	shalt  }
0x5d: {  	_ =	shalt  }
0x5e: {  	_ =	shalt  }
0x5f: {  	_ =	shalt  }
0x60: {  	_ =	shalt  }
0x61: {  	_ =	shalt  }
0x62: {  	_ =	shalt  }
0x63: {  	_ =	shalt  }
0x64: {  	_ =	shalt  }
0x65: {  	_ =	shalt  }
0x66: {  	_ =	shalt  }
0x67: {  	_ =	shalt  }
0x68: {  	_ =	shalt  }
0x69: {  	_ =	shalt  }
0x6a: {  	_ =	shalt  }
0x6b: {  	_ =	shalt  }
0x6c: {  	_ =	shalt  }
0x6d: {  	_ =	shalt  }
0x6e: {  	_ =	shalt  }
0x6f: {  	_ =	shalt  }
0x70: {  	_ =	shalt  }
0x71: {  	_ =	shalt  }
0x72: {  	_ =	shalt  }
0x73: {  	_ =	shalt  }
0x74: {  	_ =	shalt  }
0x75: {  	_ =	shalt  }
0x76: {  	_ =	shalt  }
0x77: {  	_ =	shalt  }
0x78: {  	_ =	shalt  }
0x79: {  	_ =	shalt  }
0x7a: {  	_ =	shalt  }
0x7b: {  	_ =	shalt  }
0x7c: {  	_ =	shalt  }
0x7d: {  	_ =	shalt  }
0x7e: {  	_ =	shalt  }
0x7f: {  	_ =	shalt  }
0x80: {  	_ =	shalt  }
0x81: {  	_ =	shalt  }
0x82: {  	_ =	shalt  }
0x83: {  	_ =	shalt  }
0x84: {  	_ =	shalt  }
0x85: {  	_ =	shalt  }
0x86: {  	_ =	shalt  }
0x87: {  	_ =	shalt  }
.Lfunc_end0:
.L_simem_size_0:
called_computation_lowered:
.L_overlay_start_0:
0x88: {  	s2 =	sld [smem:$0x3FD9]  }
0x89: {  	s3 =	sld [smem:$0x3FFE];
	_ =	sdelay $0x1  }
0x8a: {  	s1 =	srdreg.scid  }
0x8b: {  	s0 =	sand.u32 $0x1, s1  }
0x8c: {  	s18 =	sshll.u32 s0, $0xA;
	s2 =	sadd.s32 s3, s2  }
0x8d: {  	s2 =	sadd.s32 s2, s18  }
0x8e: {  	[smem:$0x3FC7] =	sst s2  }
0x8f: {  	_ = 	snop  }
0x90: {  	s2 =	sld [smem:$0x3FC9]  }
0x91: {  	s19 =	sld [smem:$0x3FD0];
	(tm) =	ssettm $0x1  }
0x92: {  	s4 =	sld [smem:$0x3FFB];
	_ =	sdelay $0x3  }
0x93: {  	_ =	strace s4  }
0x94: {  	s4 =	sld [smem:$0x3FFC];
	_ =	sdelay $0x3  }
0x95: {  	_ =	strace s4  }
0x96: {  	s4 =	sld [smem:$0x3FFD];
	_ =	sdelay $0x3  }
0x97: {  	_ =	strace s4  }
0x98: {  	_ =	strace $0x8FFFFFFF  }
0x99: {  	s20 =	sld [smem:$0x3FDB];
	_ =	sdelay $0x1  }
0x9a: {  	s5 =	simm.s32 $_scs_section_size  }
0x9b: {  	s6 =	simm.s32 $_size__tile_overlayer_lowered;
	s7 =	simm.s32 $_tile_overlayer_lowered  }
0x9c: {  	s23 =	simm.s32 $0x1BFF;
	s22 =	sshll.u32 s7, $0x1;
	s4 =	sadd.s32 s5, s20  }
0x9d: {  	s8 =	simm.s32 $0x0;
	s21 =	sshll.u32 s6, $0x1;
	s6 =	sadd.s32 s22, s4  }
0x9e: {  	[timem:s8], [sflag:s23] =	dma.local [hbm:s6], s21  }
0x9f: {  	_ =	swait.ge [sflag:s23], s21  }
0xa0: {  	s5 =	ssub.s32 $0x0, s21;
	[sflag:s23] =	ssyncset.done $0x0  }
0xa1: {  	[sflag:s23] =	ssyncadd.s32 s5;
	_ =	sdelay $0x1  }
0xa2: {  	s24 =	simm.s32 $0x1B8B  }
0xa3: {  	_ =	swait.ge [sflag:s24], $0x1  }
0xa4: {  	[sflag:s24] =	ssyncset.done $0x0  }
0xa5: {  	s25 =	simm.s32 $0x1B8E;
	[sflag:s24] =	ssyncadd.s32 $0xFFFFFFFF  }
0xa6: {  	s26 =	simm.s32 $execute0_lowered;
	[smem:$0x3FD2] =	sst s25  }
0xa7: {  	s5 =	sshll.u32 s26, $0x1;
	_ =	strace $0x80000046;
	[dreg:$0x1] =	wrdreg $0xFFFFFFFF  }
0xa8: {  	s28 =	simm.s32 $_size_execute0_lowered;
	s4 =	sadd.s32 s4, s5;
	[dreg:$0x0] =	wrdreg $0x0  }
0xa9: {  	s5 =	sshll.u32 s28, $0x1;
	[dreg:$0x2] =	wrdreg s4  }
0xaa: {  	[dreg:$0x3] =	wrdreg s5  }
0xab: {  	[dreg:$0x4] =	wrdreg $0xC0  }
0xac: {  	_ =	task [dreg:s8], $0x5FFFF  }
0xad: {  	[dreg:$0x1] =	wrdreg $0xFFFFFFFF  }
0xae: {  	[dreg:$0x0] =	wrdreg $0x60  }
0xaf: {  	[dreg:$0x2] =	wrdreg s2  }
0xb0: {  	[dreg:$0x3] =	wrdreg s19  }
0xb1: {  	[dreg:$0x4] =	wrdreg $0x0  }
0xb2: {  	[dreg:$0x5] =	wrdreg $0x9  }
0xb3: {  	_ =	task.clear_ibuf [dreg:s8], $0x6FFFF;
	_ =	strace $0x90000046  }
0xb4: {  	s29 =	simm.s32 $0x9;
	_ =	strace $0x80000048  }
0xb5: {  	_ =	swait.ge [sflag:s29], $0x1  }
0xb6: {  	[sflag:s29] =	ssyncadd.s32 $0xFFFFFFFF  }
0xb7: {  	_ =	strace $0x90000048  }
0xb8: {  	_ =	sfence  }
0xb9: {  	s30 =	sld [smem:$0x0];
	_ =	sdelay $0x2  }
0xba: {  	s31 =	sshll.u32 s1, $0xD;
	s1 =	sshrl.u32 s1, $0x2  }
0xbb: {  	s3 =	sand.u32 $0x4000, s31;
	s1 =	sadd.s32 s1, s30  }
0xbc: {  	s0 =	sor.u32 s3, s0;
	s1 =	sshll.u32 s1, $0x11  }
0xbd: {  	s0 =	sor.u32 s1, s0  }
0xbe: {  	s0 =	sadd.s32 $0x8F2B, s0  }
0xbf: {  	[sflag:s0] =	ssyncadd.remote.s32 $0x1  }
0xc0: {  	_ =	sfence.sel $0xFFFF  }
0xc1: {  	[dreg:$0x0] =	wrdreg $0xFFFFFFFF;
	(pc) =	sbr.abs _section_cstart, $3  }
0xc2: {  	[dreg:$0x1] =	wrdreg $0xFFFFFFFF  }
0xc3: {  	_ =	task.clear_ibuf [dreg:s8], $0x2FFFF;
	_ =	strace $0x9FFFFFFF  }
0xc4: {  	(tm) =	ssettm $0x7FFFFFFF  }
0xc5: {  	_ =	shalt  }
tec
execute0_lowered:
.L_overlay_start_1:
0x0: {  	(tag) =	ssettag $0x1  }
0x1: {  	s21 =	rddreg [dreg:$0x0]  }
0x2: {  	s22 =	rddreg [dreg:$0x1]  }
0x3: {  	s2 =	rddreg [dreg:$0x2]  }
0x4: {  	s0 =	rddreg [dreg:$0x3];
	s3 =	srdreg.scid  }
0x5: {  	s4 =	simm.s32 $0x0;
	s1 =	stileid.u32;
	s5 =	simm.s32 $0x1  }
0x6: {  	s23 =	sand.u32 $0x1, s3;
	[smem:$0x7FF] =	sst s4;
	s28 =	sshll.u32 s1, $0x10  }
0x7: {  	s30 =	sshll.u32 s1, $0xF;
	s8 =	sshll.u32 s1, $0x6;
	s29 =	sshll.u32 s23, $0xF  }
0x8: {  	_ =	strace $0x80000047;
	s31 =	sadd.s32 s30, s2;
	s24 =	sor.u32 s29, s28  }
0x9: {  	s3 =	sor.u32 $0x1C01, s8;
	s4 =	sshrl.u32 s31, $0x3;
	s2 =	sadd.s32 s21, s24  }
0xa: {  	[spmem:s4], [sflag:s3] =	dma.local [hbm:s2], $0x1000  }
0xb: {  	_ =	swait.ge [sflag:s5], $0x1000  }
0xc: {  	s7 =	simm.s32 $0x2;
	[sflag:s5] =	ssyncset.done $0x0  }
0xd: {  	s8 =	sor.u32 $0x1C02, s8;
	s6 =	sadd.s32 s22, s24;
	[sflag:s5] =	ssyncadd.s32 $0xFFFFF000  }
0xe: {  	[hbm:s6], [sflag:s8] =	dma.local [spmem:s4], $0x1000  }
0xf: {  	_ =	swait.ge [sflag:s7], $0x1000  }
0x10: {  	s10 =	sor.u32 $0x1000, s24;
	[sflag:s7] =	ssyncset.done $0x0  }
0x11: {  	s9 =	sadd.s32 s21, s10;
	[sflag:s7] =	ssyncadd.s32 $0xFFFFF000  }
0x12: {  	[spmem:s4], [sflag:s3] =	dma.local [hbm:s9], $0x1000  }
0x13: {  	_ =	swait.ge [sflag:s5], $0x1000  }
0x14: {  	[sflag:s5] =	ssyncset.done $0x0  }
0x15: {  	s10 =	sadd.s32 s22, s10;
	[sflag:s5] =	ssyncadd.s32 $0xFFFFF000  }
0x16: {  	[hbm:s10], [sflag:s8] =	dma.local [spmem:s4], $0x1000  }
0x17: {  	_ =	swait.ge [sflag:s7], $0x1000  }
0x18: {  	s12 =	sor.u32 $0x2000, s24;
	[sflag:s7] =	ssyncset.done $0x0  }
0x19: {  	s11 =	sadd.s32 s21, s12;
	[sflag:s7] =	ssyncadd.s32 $0xFFFFF000  }
0x1a: {  	[spmem:s4], [sflag:s3] =	dma.local [hbm:s11], $0x1000  }
0x1b: {  	_ =	swait.ge [sflag:s5], $0x1000  }
0x1c: {  	[sflag:s5] =	ssyncset.done $0x0  }
0x1d: {  	s12 =	sadd.s32 s22, s12;
	[sflag:s5] =	ssyncadd.s32 $0xFFFFF000  }
0x1e: {  	[hbm:s12], [sflag:s8] =	dma.local [spmem:s4], $0x1000  }
0x1f: {  	_ =	swait.ge [sflag:s7], $0x1000  }
0x20: {  	s14 =	sor.u32 $0x3000, s24;
	[sflag:s7] =	ssyncset.done $0x0  }
0x21: {  	s13 =	sadd.s32 s21, s14;
	[sflag:s7] =	ssyncadd.s32 $0xFFFFF000  }
0x22: {  	[spmem:s4], [sflag:s3] =	dma.local [hbm:s13], $0x1000  }
0x23: {  	_ =	swait.ge [sflag:s5], $0x1000  }
0x24: {  	[sflag:s5] =	ssyncset.done $0x0  }
0x25: {  	s14 =	sadd.s32 s22, s14;
	[sflag:s5] =	ssyncadd.s32 $0xFFFFF000  }
0x26: {  	[hbm:s14], [sflag:s8] =	dma.local [spmem:s4], $0x1000  }
0x27: {  	_ =	swait.ge [sflag:s7], $0x1000  }
0x28: {  	s16 =	sor.u32 $0x4000, s24;
	[sflag:s7] =	ssyncset.done $0x0  }
0x29: {  	s15 =	sadd.s32 s21, s16;
	[sflag:s7] =	ssyncadd.s32 $0xFFFFF000  }
0x2a: {  	[spmem:s4], [sflag:s3] =	dma.local [hbm:s15], $0x1000  }
0x2b: {  	_ =	swait.ge [sflag:s5], $0x1000  }
0x2c: {  	[sflag:s5] =	ssyncset.done $0x0  }
0x2d: {  	s16 =	sadd.s32 s22, s16;
	[sflag:s5] =	ssyncadd.s32 $0xFFFFF000  }
0x2e: {  	[hbm:s16], [sflag:s8] =	dma.local [spmem:s4], $0x1000  }
0x2f: {  	_ =	swait.ge [sflag:s7], $0x1000  }
0x30: {  	s18 =	sor.u32 $0x5000, s24;
	[sflag:s7] =	ssyncset.done $0x0  }
0x31: {  	s17 =	sadd.s32 s21, s18;
	[sflag:s7] =	ssyncadd.s32 $0xFFFFF000  }
0x32: {  	[spmem:s4], [sflag:s3] =	dma.local [hbm:s17], $0x1000  }
0x33: {  	_ =	swait.ge [sflag:s5], $0x1000  }
0x34: {  	[sflag:s5] =	ssyncset.done $0x0  }
0x35: {  	s18 =	sadd.s32 s22, s18;
	[sflag:s5] =	ssyncadd.s32 $0xFFFFF000  }
0x36: {  	[hbm:s18], [sflag:s8] =	dma.local [spmem:s4], $0x1000  }
0x37: {  	_ =	swait.ge [sflag:s7], $0x1000  }
0x38: {  	s20 =	sor.u32 $0x6000, s24;
	[sflag:s7] =	ssyncset.done $0x0  }
0x39: {  	s19 =	sadd.s32 s21, s20;
	[sflag:s7] =	ssyncadd.s32 $0xFFFFF000  }
0x3a: {  	[spmem:s4], [sflag:s3] =	dma.local [hbm:s19], $0x1000  }
0x3b: {  	_ =	swait.ge [sflag:s5], $0x1000  }
0x3c: {  	[sflag:s5] =	ssyncset.done $0x0  }
0x3d: {  	s23 =	ssub.s32 $0x2, s23;
	s20 =	sadd.s32 s22, s20;
	[sflag:s5] =	ssyncadd.s32 $0xFFFFF000  }
0x3e: {  	[hbm:s20], [sflag:s8] =	dma.local [spmem:s4], $0x1000  }
0x3f: {  	s25 =	sshrl.u32 s23, $0x1;
	_ =	swait.ge [sflag:s7], $0x1000  }
0x40: {  	s24 =	sor.u32 $0x7000, s24;
	s23 =	ssub.s32 s23, s25;
	[sflag:s7] =	ssyncset.done $0x0  }
0x41: {  	s21 =	sadd.s32 s21, s24;
	s23 =	smax.u32 s23, $0x1;
	[sflag:s7] =	ssyncadd.s32 $0xFFFFF000  }
0x42: {  	[spmem:s4], [sflag:s3] =	dma.local [hbm:s21], $0x1000  }
0x43: {  	p0 =	sne.s32 s23, $0x1;
	_ =	swait.ge [sflag:s5], $0x1000  }
.Ltmp0:
0x44: {  	[sflag:s5] =	ssyncset.done $0x0;
	(pc) =	sbr.rel @!p0 .LBB2_2-.Ltmp0, $4  }
0x45: {  	s22 =	sadd.s32 s22, s24;
	[sflag:s5] =	ssyncadd.s32 $0xFFFFF000  }
0x46: {  	[hbm:s22], [sflag:s8] =	dma.local [spmem:s4], $0x1000  }
0x47: {  	_ =	swait.ge [sflag:s7], $0x1000  }
0x48: {  	s23 =	sadd.s32 $0xFFFFFFFF, s23;
	[sflag:s7] =	ssyncset.done $0x0  }
.LBB2_1:
0x49: {  	p0 =	sne.s32 s23, $0x1;
	s23 =	sadd.s32 $0xFFFFFFFF, s23;
	[sflag:s7] =	ssyncadd.s32 $0xFFFFF000  }
0x4a: {  	[spmem:s4], [sflag:s3] =	dma.local [hbm:s2], $0x1000  }
0x4b: {  	_ =	swait.ge [sflag:s5], $0x1000  }
0x4c: {  	[sflag:s5] =	ssyncset.done $0x0  }
0x4d: {  	[sflag:s5] =	ssyncadd.s32 $0xFFFFF000  }
0x4e: {  	[hbm:s6], [sflag:s8] =	dma.local [spmem:s4], $0x1000  }
0x4f: {  	_ =	swait.ge [sflag:s7], $0x1000  }
0x50: {  	[sflag:s7] =	ssyncset.done $0x0  }
0x51: {  	[sflag:s7] =	ssyncadd.s32 $0xFFFFF000  }
0x52: {  	[spmem:s4], [sflag:s3] =	dma.local [hbm:s9], $0x1000  }
0x53: {  	_ =	swait.ge [sflag:s5], $0x1000  }
0x54: {  	[sflag:s5] =	ssyncset.done $0x0  }
0x55: {  	[sflag:s5] =	ssyncadd.s32 $0xFFFFF000  }
0x56: {  	[hbm:s10], [sflag:s8] =	dma.local [spmem:s4], $0x1000  }
0x57: {  	_ =	swait.ge [sflag:s7], $0x1000  }
0x58: {  	[sflag:s7] =	ssyncset.done $0x0  }
0x59: {  	[sflag:s7] =	ssyncadd.s32 $0xFFFFF000  }
0x5a: {  	[spmem:s4], [sflag:s3] =	dma.local [hbm:s11], $0x1000  }
0x5b: {  	_ =	swait.ge [sflag:s5], $0x1000  }
0x5c: {  	[sflag:s5] =	ssyncset.done $0x0  }
0x5d: {  	[sflag:s5] =	ssyncadd.s32 $0xFFFFF000  }
0x5e: {  	[hbm:s12], [sflag:s8] =	dma.local [spmem:s4], $0x1000  }
0x5f: {  	_ =	swait.ge [sflag:s7], $0x1000  }
0x60: {  	[sflag:s7] =	ssyncset.done $0x0  }
0x61: {  	[sflag:s7] =	ssyncadd.s32 $0xFFFFF000  }
0x62: {  	[spmem:s4], [sflag:s3] =	dma.local [hbm:s13], $0x1000  }
0x63: {  	_ =	swait.ge [sflag:s5], $0x1000  }
0x64: {  	[sflag:s5] =	ssyncset.done $0x0  }
0x65: {  	[sflag:s5] =	ssyncadd.s32 $0xFFFFF000  }
0x66: {  	[hbm:s14], [sflag:s8] =	dma.local [spmem:s4], $0x1000  }
0x67: {  	_ =	swait.ge [sflag:s7], $0x1000  }
0x68: {  	[sflag:s7] =	ssyncset.done $0x0  }
0x69: {  	[sflag:s7] =	ssyncadd.s32 $0xFFFFF000  }
0x6a: {  	[spmem:s4], [sflag:s3] =	dma.local [hbm:s15], $0x1000  }
0x6b: {  	_ =	swait.ge [sflag:s5], $0x1000  }
0x6c: {  	[sflag:s5] =	ssyncset.done $0x0  }
0x6d: {  	[sflag:s5] =	ssyncadd.s32 $0xFFFFF000  }
0x6e: {  	[hbm:s16], [sflag:s8] =	dma.local [spmem:s4], $0x1000  }
0x6f: {  	_ =	swait.ge [sflag:s7], $0x1000  }
0x70: {  	[sflag:s7] =	ssyncset.done $0x0  }
0x71: {  	[sflag:s7] =	ssyncadd.s32 $0xFFFFF000  }
0x72: {  	[spmem:s4], [sflag:s3] =	dma.local [hbm:s17], $0x1000  }
0x73: {  	_ =	swait.ge [sflag:s5], $0x1000  }
0x74: {  	[sflag:s5] =	ssyncset.done $0x0  }
0x75: {  	[sflag:s5] =	ssyncadd.s32 $0xFFFFF000  }
0x76: {  	[hbm:s18], [sflag:s8] =	dma.local [spmem:s4], $0x1000  }
0x77: {  	_ =	swait.ge [sflag:s7], $0x1000  }
0x78: {  	[sflag:s7] =	ssyncset.done $0x0  }
0x79: {  	[sflag:s7] =	ssyncadd.s32 $0xFFFFF000  }
0x7a: {  	[spmem:s4], [sflag:s3] =	dma.local [hbm:s19], $0x1000  }
0x7b: {  	_ =	swait.ge [sflag:s5], $0x1000  }
0x7c: {  	[sflag:s5] =	ssyncset.done $0x0  }
0x7d: {  	[sflag:s5] =	ssyncadd.s32 $0xFFFFF000  }
0x7e: {  	[hbm:s20], [sflag:s8] =	dma.local [spmem:s4], $0x1000  }
0x7f: {  	_ =	swait.ge [sflag:s7], $0x1000  }
0x80: {  	[sflag:s7] =	ssyncset.done $0x0  }
0x81: {  	[sflag:s7] =	ssyncadd.s32 $0xFFFFF000  }
0x82: {  	[spmem:s4], [sflag:s3] =	dma.local [hbm:s21], $0x1000  }
0x83: {  	_ =	swait.ge [sflag:s5], $0x1000  }
.Ltmp1:
0x84: {  	[sflag:s5] =	ssyncset.done $0x0;
	(pc) =	sbr.rel @p0 .LBB2_1-.Ltmp1, $4  }
0x85: {  	[sflag:s5] =	ssyncadd.s32 $0xFFFFF000  }
0x86: {  	[hbm:s22], [sflag:s8] =	dma.local [spmem:s4], $0x1000  }
0x87: {  	_ =	swait.ge [sflag:s7], $0x1000  }
0x88: {  	[sflag:s7] =	ssyncset.done $0x0  }
.LBB2_2:
0x89: {  	[sflag:s7] =	ssyncadd.s32 $0xFFFFF000  }
0x8a: {  	_ =	sfence.sel $0x180000  }
0x8b: {  	[bflag:$0x0] =	sbarrier.arrive $0xFFFF  }
0x8c: {  	p0 =	sne.s32 s1, $0x0;
	_ =	strace $0x90000047  }
0x8d: {  	s0 =	sadd.s32 @!p0 $0x100000, s0;
	[bflag:$0x2] =	sbarrier.arrive $0xFFFF  }
0x8e: {  	[sflag:s0] =	ssyncadd.tile.s32 @!p0 $0x1;
	_ =	shalt  }
.Lfunc_end2:
_tile_overlayer_lowered:
.L_overlay_start_2:
0x8f: {  	(tag) =	ssettag $0x2  }
0x90: {  	s0 =	rddreg [dreg:$0x0];
	s2 =	stileid.u32  }
0x91: {  	s1 =	rddreg [dreg:$0x1];
	p0 =	sne.s32 s2, $0x0  }
0x92: {  	s3 =	rddreg [dreg:$0x2];
	[bflag:$0x3] =	sbarrier.arrive $0xFFFF;
	s2 =	simm.s32 @!p0 $0x1C03  }
0x93: {  	[timem:s3], [sflag:s2] =	dma.local @!p0 [hbm:s0], s1  }
0x94: {  	s0 =	simm.s32 @!p0 $0x3  }
0x95: {  	_ =	swait.ge @!p0 [sflag:s0], s1  }
0x96: {  	s1 =	ssub.s32 @!p0 $0x0, s1;
	[sflag:s0] =	ssyncset.done @!p0 $0x0  }
0x97: {  	[sflag:s0] =	ssyncadd.s32 @!p0 s1  }
0x98: {  	[bflag:$0x3] =	sbarrier.arrive $0xFFFF  }
0x99: {  	_ =	shalt  }

</sc_bundles>
